<compile_context>
chip_gen: v7x
topology: tpu7x:2x2x1
jax: 0.10.2.dev20260603
libtpu: 0.0.44.dev20260713+nightly
codegen_flags: <defaults>
</compile_context>

<pallas_src>
import functools

import jax
import jax.numpy as jnp
from jax import lax
from jax.experimental import pallas as pl
from jax.experimental.pallas import tpu as pltpu
from jax.experimental.pallas import tpu_sc as plsc

B = 4096
E = 128
H = 256
NC = 2
NS = 16
NW = NC * NS
BPW = B // NW
CH = 64


def _gather_body(user_table, item_table, uid, iid, out,
                 uidx, iidx, urows, irows, isem, usem, vsem, wsem):
    wid = lax.axis_index("s") * NC + lax.axis_index("c")
    base = wid * BPW
    ui = pltpu.async_copy(uid.at[pl.ds(base, BPW)], uidx, isem)
    vi = pltpu.async_copy(iid.at[pl.ds(base, BPW)], iidx, isem)
    ui.wait()
    vi.wait()
    gathers = []
    for c in range(0, BPW, CH):
        gathers.append((pltpu.async_copy(user_table.at[uidx.at[pl.ds(c, CH)]],
                                         urows.at[pl.ds(c, CH)], usem),
                        urows.at[pl.ds(c, CH)], base + c))
        gathers.append((pltpu.async_copy(item_table.at[iidx.at[pl.ds(c, CH)]],
                                         irows.at[pl.ds(c, CH)], vsem),
                        irows.at[pl.ds(c, CH)], B + base + c))
    writes = []
    for cp, rows, dst in gathers:
        cp.wait()
        writes.append(pltpu.async_copy(rows, out.at[pl.ds(dst, CH)], wsem))
    for w in writes:
        w.wait()


def _sc_gather(user_table, item_table, uid, iid):
    mesh = plsc.VectorSubcoreMesh(core_axis_name="c", subcore_axis_name="s")
    f = functools.partial(
        pl.kernel,
        mesh=mesh,
        out_type=jax.ShapeDtypeStruct((2 * B, E), jnp.float32),
        scratch_types=[
            pltpu.VMEM((BPW,), jnp.int32),
            pltpu.VMEM((BPW,), jnp.int32),
            pltpu.VMEM((BPW, E), jnp.float32),
            pltpu.VMEM((BPW, E), jnp.float32),
            pltpu.SemaphoreType.DMA,
            pltpu.SemaphoreType.DMA,
            pltpu.SemaphoreType.DMA,
            pltpu.SemaphoreType.DMA,
        ],
    )(_gather_body)
    return f(user_table, item_table, uid, iid)


NBLK = 2
BB = B // NBLK


def _mlp_body(g_ref, w1_ref, b1_ref, w2_ref, b2_ref, out_ref):
    dn = (((1,), (1,)), ((), ()))
    ht = lax.dot_general(w1_ref[:, :E], g_ref[0, 0], dn,
                         preferred_element_type=jnp.float32)
    ht = ht + lax.dot_general(w1_ref[:, E:], g_ref[1, 0], dn,
                              preferred_element_type=jnp.float32)
    ht = jnp.maximum(ht + b1_ref[...], 0.0)
    out_ref[...] = jnp.sum(ht * w2_ref[...], axis=0) + b2_ref[0, 0]


def _tc_mlp(g, W1, b1, W2, b2):
    g4 = g.reshape(2, NBLK, BB, E)
    return pl.pallas_call(
        _mlp_body,
        grid=(NBLK,),
        in_specs=[
            pl.BlockSpec((2, 1, BB, E), lambda i: (0, i, 0, 0)),
            pl.BlockSpec((H, 2 * E), lambda i: (0, 0)),
            pl.BlockSpec((H, 1), lambda i: (0, 0)),
            pl.BlockSpec((H, 1), lambda i: (0, 0)),
            pl.BlockSpec((1, 1), lambda i: (0, 0)),
        ],
        out_specs=pl.BlockSpec((BB,), lambda i: (i,)),
        out_shape=jax.ShapeDtypeStruct((B,), jnp.float32),
    )(g4, W1, b1.reshape(H, 1), W2.reshape(H, 1), b2.reshape(1, 1))


@jax.jit
def kernel(user_id, item_id, user_table, item_table, W1, b1, W2, b2):
    g = _sc_gather(user_table, item_table,
                   user_id.astype(jnp.int32), item_id.astype(jnp.int32))
    return _tc_mlp(g, W1, b1, W2, b2).reshape(B, 1)

# --- scband reference (transcript-rebuilt; emitter-appended) ---
"""Pipeline reference for scband-mlp-50491635532325 (READ-ONLY COPY).

The authoritative reference and input builder live on the scoring server;
editing this copy changes nothing except your own understanding.
"""

import jax, jax.numpy as jnp
import numpy as np

NUM_USERS = 100000
NUM_ITEMS = 1000000
EMBED = 128
HIDDEN = 256
BATCH = 4096


def setup_inputs(seed: int = 0) -> dict:
    key = jax.random.key(seed)
    ks = jax.random.split(key, 8)
    user_id = jax.random.randint(ks[0], (BATCH,), 0, NUM_USERS, dtype=jnp.int64 if jax.config.jax_enable_x64 else jnp.int32)
    item_id = jax.random.randint(ks[1], (BATCH,), 0, NUM_ITEMS, dtype=jnp.int64 if jax.config.jax_enable_x64 else jnp.int32)
    user_table = jax.random.normal(ks[2], (NUM_USERS, EMBED), dtype=jnp.float32)
    item_table = jax.random.normal(ks[3], (NUM_ITEMS, EMBED), dtype=jnp.float32)
    # PyTorch nn.Linear weights: [out_features, in_features]
    bound1 = 1.0 / np.sqrt(EMBED * 2)
    W1 = jax.random.uniform(ks[4], (HIDDEN, EMBED * 2), minval=-bound1, maxval=bound1, dtype=jnp.float32)
    b1 = jax.random.uniform(ks[5], (HIDDEN,), minval=-bound1, maxval=bound1, dtype=jnp.float32)
    bound2 = 1.0 / np.sqrt(HIDDEN)
    W2 = jax.random.uniform(ks[6], (1, HIDDEN), minval=-bound2, maxval=bound2, dtype=jnp.float32)
    b2 = jax.random.uniform(ks[7], (1,), minval=-bound2, maxval=bound2, dtype=jnp.float32)
    return {"user_id": user_id, "item_id": item_id, "user_table": user_table,
            "item_table": item_table, "W1": W1, "b1": b1, "W2": W2, "b2": b2}


def reference(user_id, item_id, user_table, item_table, W1, b1, W2, b2):
    user_emb = jnp.take(user_table, user_id, axis=0)   # [B, E]
    item_emb = jnp.take(item_table, item_id, axis=0)   # [B, E]
    x = jnp.concatenate([user_emb, item_emb], axis=1)  # [B, 2E]
    h = jax.nn.relu(x @ W1.T + b1)                     # [B, H]
    out = h @ W2.T + b2                                # [B, 1]
    return out

if __name__ == "__main__":
    import jax
    _d = setup_inputs()
    print(jax.jit(kernel)(*tuple(_d.values())))

</pallas_src>

<mosaic_0001>
#map = affine_map<(d0, d1) -> (0, 0)>
#map1 = affine_map<(d0, d1) -> (0)>
module attributes {stable_mosaic.version = 14 : i64} {
  func.func @_gather_body(%arg0: i32, %arg1: i32, %arg2: memref<100000x128xf32, #tpu.memory_space<hbm>>, %arg3: memref<1000000x128xf32, #tpu.memory_space<hbm>>, %arg4: memref<4096xi32, #tpu.memory_space<hbm>>, %arg5: memref<4096xi32, #tpu.memory_space<hbm>>, %arg6: memref<8192x128xf32, #tpu.memory_space<hbm>>, %arg7: memref<128xi32, #tpu.memory_space<vmem>>, %arg8: memref<128xi32, #tpu.memory_space<vmem>>, %arg9: memref<128x128xf32, #tpu.memory_space<vmem>>, %arg10: memref<128x128xf32, #tpu.memory_space<vmem>>, %arg11: memref<!tpu.dma_semaphore, #tpu.memory_space<semaphore_mem>>, %arg12: memref<!tpu.dma_semaphore, #tpu.memory_space<semaphore_mem>>, %arg13: memref<!tpu.dma_semaphore, #tpu.memory_space<semaphore_mem>>, %arg14: memref<!tpu.dma_semaphore, #tpu.memory_space<semaphore_mem>>) attributes {dimension_semantics = [#tpu.dimension_semantics<core_parallel>, #tpu.dimension_semantics<subcore_parallel>], iteration_bounds = array<i64: 2, 16>, scalar_prefetch = 0 : i64, scratch_operands = 8 : i64, tpu.core_type = #tpu.core_type<sc_vector_subcore>, window_params = [{transform_indices = #map}, {transform_indices = #map}, {transform_indices = #map1}, {transform_indices = #map1}, {transform_indices = #map}]} {
    %mul3A = arith.constant 2 : i32
    %mul3A_0 = arith.muli %arg1, %mul3A : i32
    %add3A = arith.addi %mul3A_0, %arg0 : i32
    %mul3A_1 = arith.constant 128 : i32
    %mul3A_2 = arith.muli %add3A, %mul3A_1 : i32
    %dma_start3A = tpu.memref_slice %arg4[%mul3A_2] : memref<4096xi32, #tpu.memory_space<hbm>> -> memref<128xi32, #tpu.memory_space<hbm>>
    %dma_start3A_3 = tpu.memref_slice %arg4[%mul3A_2] : memref<4096xi32, #tpu.memory_space<hbm>> -> memref<128xi32, #tpu.memory_space<hbm>>
    tpu.enqueue_dma source(%dma_start3A_3 : memref<128xi32, #tpu.memory_space<hbm>>) target(%arg7 : memref<128xi32, #tpu.memory_space<vmem>>) target_semaphore(%arg11 : memref<!tpu.dma_semaphore, #tpu.memory_space<semaphore_mem>>)
    %dma_start3A_4 = tpu.memref_slice %arg5[%mul3A_2] : memref<4096xi32, #tpu.memory_space<hbm>> -> memref<128xi32, #tpu.memory_space<hbm>>
    %dma_start3A_5 = tpu.memref_slice %arg5[%mul3A_2] : memref<4096xi32, #tpu.memory_space<hbm>> -> memref<128xi32, #tpu.memory_space<hbm>>
    tpu.enqueue_dma source(%dma_start3A_5 : memref<128xi32, #tpu.memory_space<hbm>>) target(%arg8 : memref<128xi32, #tpu.memory_space<vmem>>) target_semaphore(%arg11 : memref<!tpu.dma_semaphore, #tpu.memory_space<semaphore_mem>>)
    %dma_wait3A = tpu.memref_slice %arg4[%mul3A_2] : memref<4096xi32, #tpu.memory_space<hbm>> -> memref<128xi32, #tpu.memory_space<hbm>>
    %dma_wait3A_6 = tpu.memref_slice %arg4[%mul3A_2] : memref<4096xi32, #tpu.memory_space<hbm>> -> memref<128xi32, #tpu.memory_space<hbm>>
    tpu.wait_dma2 semaphore(%arg11 : memref<!tpu.dma_semaphore, #tpu.memory_space<semaphore_mem>>) src(%dma_wait3A_6 : memref<128xi32, #tpu.memory_space<hbm>>) dst(%arg7 : memref<128xi32, #tpu.memory_space<vmem>>)
    %dma_wait3A_7 = tpu.memref_slice %arg5[%mul3A_2] : memref<4096xi32, #tpu.memory_space<hbm>> -> memref<128xi32, #tpu.memory_space<hbm>>
    %dma_wait3A_8 = tpu.memref_slice %arg5[%mul3A_2] : memref<4096xi32, #tpu.memory_space<hbm>> -> memref<128xi32, #tpu.memory_space<hbm>>
    tpu.wait_dma2 semaphore(%arg11 : memref<!tpu.dma_semaphore, #tpu.memory_space<semaphore_mem>>) src(%dma_wait3A_8 : memref<128xi32, #tpu.memory_space<hbm>>) dst(%arg8 : memref<128xi32, #tpu.memory_space<vmem>>)
    %dma_start3A_9 = arith.constant 0 : i32
    %dma_start3A_10 = arith.constant 0 : i32
    %dma_start3A_11 = tpu.memref_slice %arg9[%dma_start3A_9, %dma_start3A_10] : memref<128x128xf32, #tpu.memory_space<vmem>> -> memref<64x128xf32, #tpu.memory_space<vmem>>
    %dma_start3A_12 = arith.constant 0 : i32
    %dma_start3A_13 = tpu.memref_slice %arg7[%dma_start3A_12] : memref<128xi32, #tpu.memory_space<vmem>> -> memref<64xi32, #tpu.memory_space<vmem>>
    %dma_start3A_14 = arith.constant 0 : i32
    %dma_start3A_15 = arith.constant 0 : i32
    %dma_start3A_16 = tpu.memref_slice %arg2[%dma_start3A_14, %dma_start3A_15] : memref<100000x128xf32, #tpu.memory_space<hbm>> -> memref<100000x128xf32, #tpu.memory_space<hbm>>
    tpu.enqueue_indirect_dma source(%dma_start3A_16 : memref<100000x128xf32, #tpu.memory_space<hbm>>) target(%dma_start3A_11 : memref<64x128xf32, #tpu.memory_space<vmem>>) offsets(%dma_start3A_13 : memref<64xi32, #tpu.memory_space<vmem>>) semaphore(%arg12 : memref<!tpu.dma_semaphore, #tpu.memory_space<semaphore_mem>>)
    %add3A_17 = arith.constant 0 : i32
    %add3A_18 = arith.addi %mul3A_2, %add3A_17 : i32
    %dma_start3A_19 = arith.constant 0 : i32
    %dma_start3A_20 = arith.constant 0 : i32
    %dma_start3A_21 = tpu.memref_slice %arg10[%dma_start3A_19, %dma_start3A_20] : memref<128x128xf32, #tpu.memory_space<vmem>> -> memref<64x128xf32, #tpu.memory_space<vmem>>
    %dma_start3A_22 = arith.constant 0 : i32
    %dma_start3A_23 = tpu.memref_slice %arg8[%dma_start3A_22] : memref<128xi32, #tpu.memory_space<vmem>> -> memref<64xi32, #tpu.memory_space<vmem>>
    %dma_start3A_24 = arith.constant 0 : i32
    %dma_start3A_25 = arith.constant 0 : i32
    %dma_start3A_26 = tpu.memref_slice %arg3[%dma_start3A_24, %dma_start3A_25] : memref<1000000x128xf32, #tpu.memory_space<hbm>> -> memref<1000000x128xf32, #tpu.memory_space<hbm>>
    tpu.enqueue_indirect_dma source(%dma_start3A_26 : memref<1000000x128xf32, #tpu.memory_space<hbm>>) target(%dma_start3A_21 : memref<64x128xf32, #tpu.memory_space<vmem>>) offsets(%dma_start3A_23 : memref<64xi32, #tpu.memory_space<vmem>>) semaphore(%arg13 : memref<!tpu.dma_semaphore, #tpu.memory_space<semaphore_mem>>)
    %add3A_27 = arith.constant 4096 : i32
    %add3A_28 = arith.addi %add3A_27, %mul3A_2 : i32
    %add3A_29 = arith.constant 0 : i32
    %add3A_30 = arith.addi %add3A_28, %add3A_29 : i32
    %dma_start3A_31 = arith.constant 64 : i32
    %dma_start3A_32 = arith.constant 0 : i32
    %dma_start3A_33 = tpu.memref_slice %arg9[%dma_start3A_31, %dma_start3A_32] : memref<128x128xf32, #tpu.memory_space<vmem>> -> memref<64x128xf32, #tpu.memory_space<vmem>>
    %dma_start3A_34 = arith.constant 64 : i32
    %dma_start3A_35 = tpu.memref_slice %arg7[%dma_start3A_34] : memref<128xi32, #tpu.memory_space<vmem>> -> memref<64xi32, #tpu.memory_space<vmem>>
    %dma_start3A_36 = arith.constant 0 : i32
    %dma_start3A_37 = arith.constant 0 : i32
    %dma_start3A_38 = tpu.memref_slice %arg2[%dma_start3A_36, %dma_start3A_37] : memref<100000x128xf32, #tpu.memory_space<hbm>> -> memref<100000x128xf32, #tpu.memory_space<hbm>>
    tpu.enqueue_indirect_dma source(%dma_start3A_38 : memref<100000x128xf32, #tpu.memory_space<hbm>>) target(%dma_start3A_33 : memref<64x128xf32, #tpu.memory_space<vmem>>) offsets(%dma_start3A_35 : memref<64xi32, #tpu.memory_space<vmem>>) semaphore(%arg12 : memref<!tpu.dma_semaphore, #tpu.memory_space<semaphore_mem>>)
    %add3A_39 = arith.constant 64 : i32
    %add3A_40 = arith.addi %mul3A_2, %add3A_39 : i32
    %dma_start3A_41 = arith.constant 64 : i32
    %dma_start3A_42 = arith.constant 0 : i32
    %dma_start3A_43 = tpu.memref_slice %arg10[%dma_start3A_41, %dma_start3A_42] : memref<128x128xf32, #tpu.memory_space<vmem>> -> memref<64x128xf32, #tpu.memory_space<vmem>>
    %dma_start3A_44 = arith.constant 64 : i32
    %dma_start3A_45 = tpu.memref_slice %arg8[%dma_start3A_44] : memref<128xi32, #tpu.memory_space<vmem>> -> memref<64xi32, #tpu.memory_space<vmem>>
    %dma_start3A_46 = arith.constant 0 : i32
    %dma_start3A_47 = arith.constant 0 : i32
    %dma_start3A_48 = tpu.memref_slice %arg3[%dma_start3A_46, %dma_start3A_47] : memref<1000000x128xf32, #tpu.memory_space<hbm>> -> memref<1000000x128xf32, #tpu.memory_space<hbm>>
    tpu.enqueue_indirect_dma source(%dma_start3A_48 : memref<1000000x128xf32, #tpu.memory_space<hbm>>) target(%dma_start3A_43 : memref<64x128xf32, #tpu.memory_space<vmem>>) offsets(%dma_start3A_45 : memref<64xi32, #tpu.memory_space<vmem>>) semaphore(%arg13 : memref<!tpu.dma_semaphore, #tpu.memory_space<semaphore_mem>>)
    %add3A_49 = arith.constant 4096 : i32
    %add3A_50 = arith.addi %add3A_49, %mul3A_2 : i32
    %add3A_51 = arith.constant 64 : i32
    %add3A_52 = arith.addi %add3A_50, %add3A_51 : i32
    %dma_wait3A_53 = arith.constant 0 : i32
    %dma_wait3A_54 = arith.constant 0 : i32
    %dma_wait3A_55 = tpu.memref_slice %arg9[%dma_wait3A_53, %dma_wait3A_54] : memref<128x128xf32, #tpu.memory_space<vmem>> -> memref<64x128xf32, #tpu.memory_space<vmem>>
    %dma_wait3A_56 = arith.constant 0 : i32
    %dma_wait3A_57 = tpu.memref_slice %arg7[%dma_wait3A_56] : memref<128xi32, #tpu.memory_space<vmem>> -> memref<64xi32, #tpu.memory_space<vmem>>
    %dma_wait3A_58 = arith.constant 0 : i32
    %dma_wait3A_59 = arith.constant 0 : i32
    %dma_wait3A_60 = tpu.memref_slice %arg2[%dma_wait3A_58, %dma_wait3A_59] : memref<100000x128xf32, #tpu.memory_space<hbm>> -> memref<100000x128xf32, #tpu.memory_space<hbm>>
    tpu.wait_indirect_dma semaphore(%arg12 : memref<!tpu.dma_semaphore, #tpu.memory_space<semaphore_mem>>) src(%dma_wait3A_60 : memref<100000x128xf32, #tpu.memory_space<hbm>>) dst(%dma_wait3A_55 : memref<64x128xf32, #tpu.memory_space<vmem>>)
    %dma_start3A_61 = arith.constant 0 : i32
    %dma_start3A_62 = arith.constant 0 : i32
    %dma_start3A_63 = tpu.memref_slice %arg9[%dma_start3A_61, %dma_start3A_62] : memref<128x128xf32, #tpu.memory_space<vmem>> -> memref<64x128xf32, #tpu.memory_space<vmem>>
    %dma_start3A_64 = arith.constant 0 : i32
    %dma_start3A_65 = tpu.memref_slice %arg6[%add3A_18, %dma_start3A_64] : memref<8192x128xf32, #tpu.memory_space<hbm>> -> memref<64x128xf32, #tpu.memory_space<hbm>>
    %dma_start3A_66 = arith.constant 0 : i32
    %dma_start3A_67 = tpu.memref_slice %arg6[%add3A_18, %dma_start3A_66] : memref<8192x128xf32, #tpu.memory_space<hbm>> -> memref<64x128xf32, #tpu.memory_space<hbm>>
    %dma_start3A_68 = arith.constant 0 : i32
    %dma_start3A_69 = arith.constant 0 : i32
    %dma_start3A_70 = tpu.memref_slice %arg9[%dma_start3A_68, %dma_start3A_69] : memref<128x128xf32, #tpu.memory_space<vmem>> -> memref<64x128xf32, #tpu.memory_space<vmem>>
    tpu.enqueue_dma source(%dma_start3A_70 : memref<64x128xf32, #tpu.memory_space<vmem>>) target(%dma_start3A_67 : memref<64x128xf32, #tpu.memory_space<hbm>>) target_semaphore(%arg14 : memref<!tpu.dma_semaphore, #tpu.memory_space<semaphore_mem>>)
    %dma_wait3A_71 = arith.constant 0 : i32
    %dma_wait3A_72 = arith.constant 0 : i32
    %dma_wait3A_73 = tpu.memref_slice %arg10[%dma_wait3A_71, %dma_wait3A_72] : memref<128x128xf32, #tpu.memory_space<vmem>> -> memref<64x128xf32, #tpu.memory_space<vmem>>
    %dma_wait3A_74 = arith.constant 0 : i32
    %dma_wait3A_75 = tpu.memref_slice %arg8[%dma_wait3A_74] : memref<128xi32, #tpu.memory_space<vmem>> -> memref<64xi32, #tpu.memory_space<vmem>>
    %dma_wait3A_76 = arith.constant 0 : i32
    %dma_wait3A_77 = arith.constant 0 : i32
    %dma_wait3A_78 = tpu.memref_slice %arg3[%dma_wait3A_76, %dma_wait3A_77] : memref<1000000x128xf32, #tpu.memory_space<hbm>> -> memref<1000000x128xf32, #tpu.memory_space<hbm>>
    tpu.wait_indirect_dma semaphore(%arg13 : memref<!tpu.dma_semaphore, #tpu.memory_space<semaphore_mem>>) src(%dma_wait3A_78 : memref<1000000x128xf32, #tpu.memory_space<hbm>>) dst(%dma_wait3A_73 : memref<64x128xf32, #tpu.memory_space<vmem>>)
    %dma_start3A_79 = arith.constant 0 : i32
    %dma_start3A_80 = arith.constant 0 : i32
    %dma_start3A_81 = tpu.memref_slice %arg10[%dma_start3A_79, %dma_start3A_80] : memref<128x128xf32, #tpu.memory_space<vmem>> -> memref<64x128xf32, #tpu.memory_space<vmem>>
    %dma_start3A_82 = arith.constant 0 : i32
    %dma_start3A_83 = tpu.memref_slice %arg6[%add3A_30, %dma_start3A_82] : memref<8192x128xf32, #tpu.memory_space<hbm>> -> memref<64x128xf32, #tpu.memory_space<hbm>>
    %dma_start3A_84 = arith.constant 0 : i32
    %dma_start3A_85 = tpu.memref_slice %arg6[%add3A_30, %dma_start3A_84] : memref<8192x128xf32, #tpu.memory_space<hbm>> -> memref<64x128xf32, #tpu.memory_space<hbm>>
    %dma_start3A_86 = arith.constant 0 : i32
    %dma_start3A_87 = arith.constant 0 : i32
    %dma_start3A_88 = tpu.memref_slice %arg10[%dma_start3A_86, %dma_start3A_87] : memref<128x128xf32, #tpu.memory_space<vmem>> -> memref<64x128xf32, #tpu.memory_space<vmem>>
    tpu.enqueue_dma source(%dma_start3A_88 : memref<64x128xf32, #tpu.memory_space<vmem>>) target(%dma_start3A_85 : memref<64x128xf32, #tpu.memory_space<hbm>>) target_semaphore(%arg14 : memref<!tpu.dma_semaphore, #tpu.memory_space<semaphore_mem>>)
    %dma_wait3A_89 = arith.constant 64 : i32
    %dma_wait3A_90 = arith.constant 0 : i32
    %dma_wait3A_91 = tpu.memref_slice %arg9[%dma_wait3A_89, %dma_wait3A_90] : memref<128x128xf32, #tpu.memory_space<vmem>> -> memref<64x128xf32, #tpu.memory_space<vmem>>
    %dma_wait3A_92 = arith.constant 64 : i32
    %dma_wait3A_93 = tpu.memref_slice %arg7[%dma_wait3A_92] : memref<128xi32, #tpu.memory_space<vmem>> -> memref<64xi32, #tpu.memory_space<vmem>>
    %dma_wait3A_94 = arith.constant 0 : i32
    %dma_wait3A_95 = arith.constant 0 : i32
    %dma_wait3A_96 = tpu.memref_slice %arg2[%dma_wait3A_94, %dma_wait3A_95] : memref<100000x128xf32, #tpu.memory_space<hbm>> -> memref<100000x128xf32, #tpu.memory_space<hbm>>
    tpu.wait_indirect_dma semaphore(%arg12 : memref<!tpu.dma_semaphore, #tpu.memory_space<semaphore_mem>>) src(%dma_wait3A_96 : memref<100000x128xf32, #tpu.memory_space<hbm>>) dst(%dma_wait3A_91 : memref<64x128xf32, #tpu.memory_space<vmem>>)
    %dma_start3A_97 = arith.constant 64 : i32
    %dma_start3A_98 = arith.constant 0 : i32
    %dma_start3A_99 = tpu.memref_slice %arg9[%dma_start3A_97, %dma_start3A_98] : memref<128x128xf32, #tpu.memory_space<vmem>> -> memref<64x128xf32, #tpu.memory_space<vmem>>
    %dma_start3A_100 = arith.constant 0 : i32
    %dma_start3A_101 = tpu.memref_slice %arg6[%add3A_40, %dma_start3A_100] : memref<8192x128xf32, #tpu.memory_space<hbm>> -> memref<64x128xf32, #tpu.memory_space<hbm>>
    %dma_start3A_102 = arith.constant 0 : i32
    %dma_start3A_103 = tpu.memref_slice %arg6[%add3A_40, %dma_start3A_102] : memref<8192x128xf32, #tpu.memory_space<hbm>> -> memref<64x128xf32, #tpu.memory_space<hbm>>
    %dma_start3A_104 = arith.constant 64 : i32
    %dma_start3A_105 = arith.constant 0 : i32
    %dma_start3A_106 = tpu.memref_slice %arg9[%dma_start3A_104, %dma_start3A_105] : memref<128x128xf32, #tpu.memory_space<vmem>> -> memref<64x128xf32, #tpu.memory_space<vmem>>
    tpu.enqueue_dma source(%dma_start3A_106 : memref<64x128xf32, #tpu.memory_space<vmem>>) target(%dma_start3A_103 : memref<64x128xf32, #tpu.memory_space<hbm>>) target_semaphore(%arg14 : memref<!tpu.dma_semaphore, #tpu.memory_space<semaphore_mem>>)
    %dma_wait3A_107 = arith.constant 64 : i32
    %dma_wait3A_108 = arith.constant 0 : i32
    %dma_wait3A_109 = tpu.memref_slice %arg10[%dma_wait3A_107, %dma_wait3A_108] : memref<128x128xf32, #tpu.memory_space<vmem>> -> memref<64x128xf32, #tpu.memory_space<vmem>>
    %dma_wait3A_110 = arith.constant 64 : i32
    %dma_wait3A_111 = tpu.memref_slice %arg8[%dma_wait3A_110] : memref<128xi32, #tpu.memory_space<vmem>> -> memref<64xi32, #tpu.memory_space<vmem>>
    %dma_wait3A_112 = arith.constant 0 : i32
    %dma_wait3A_113 = arith.constant 0 : i32
    %dma_wait3A_114 = tpu.memref_slice %arg3[%dma_wait3A_112, %dma_wait3A_113] : memref<1000000x128xf32, #tpu.memory_space<hbm>> -> memref<1000000x128xf32, #tpu.memory_space<hbm>>
    tpu.wait_indirect_dma semaphore(%arg13 : memref<!tpu.dma_semaphore, #tpu.memory_space<semaphore_mem>>) src(%dma_wait3A_114 : memref<1000000x128xf32, #tpu.memory_space<hbm>>) dst(%dma_wait3A_109 : memref<64x128xf32, #tpu.memory_space<vmem>>)
    %dma_start3A_115 = arith.constant 64 : i32
    %dma_start3A_116 = arith.constant 0 : i32
    %dma_start3A_117 = tpu.memref_slice %arg10[%dma_start3A_115, %dma_start3A_116] : memref<128x128xf32, #tpu.memory_space<vmem>> -> memref<64x128xf32, #tpu.memory_space<vmem>>
    %dma_start3A_118 = arith.constant 0 : i32
    %dma_start3A_119 = tpu.memref_slice %arg6[%add3A_52, %dma_start3A_118] : memref<8192x128xf32, #tpu.memory_space<hbm>> -> memref<64x128xf32, #tpu.memory_space<hbm>>
    %dma_start3A_120 = arith.constant 0 : i32
    %dma_start3A_121 = tpu.memref_slice %arg6[%add3A_52, %dma_start3A_120] : memref<8192x128xf32, #tpu.memory_space<hbm>> -> memref<64x128xf32, #tpu.memory_space<hbm>>
    %dma_start3A_122 = arith.constant 64 : i32
    %dma_start3A_123 = arith.constant 0 : i32
    %dma_start3A_124 = tpu.memref_slice %arg10[%dma_start3A_122, %dma_start3A_123] : memref<128x128xf32, #tpu.memory_space<vmem>> -> memref<64x128xf32, #tpu.memory_space<vmem>>
    tpu.enqueue_dma source(%dma_start3A_124 : memref<64x128xf32, #tpu.memory_space<vmem>>) target(%dma_start3A_121 : memref<64x128xf32, #tpu.memory_space<hbm>>) target_semaphore(%arg14 : memref<!tpu.dma_semaphore, #tpu.memory_space<semaphore_mem>>)
    %dma_wait3A_125 = arith.constant 0 : i32
    %dma_wait3A_126 = arith.constant 0 : i32
    %dma_wait3A_127 = tpu.memref_slice %arg9[%dma_wait3A_125, %dma_wait3A_126] : memref<128x128xf32, #tpu.memory_space<vmem>> -> memref<64x128xf32, #tpu.memory_space<vmem>>
    %dma_wait3A_128 = arith.constant 0 : i32
    %dma_wait3A_129 = tpu.memref_slice %arg6[%add3A_18, %dma_wait3A_128] : memref<8192x128xf32, #tpu.memory_space<hbm>> -> memref<64x128xf32, #tpu.memory_space<hbm>>
    %dma_wait3A_130 = arith.constant 0 : i32
    %dma_wait3A_131 = tpu.memref_slice %arg6[%add3A_18, %dma_wait3A_130] : memref<8192x128xf32, #tpu.memory_space<hbm>> -> memref<64x128xf32, #tpu.memory_space<hbm>>
    %dma_wait3A_132 = arith.constant 0 : i32
    %dma_wait3A_133 = arith.constant 0 : i32
    %dma_wait3A_134 = tpu.memref_slice %arg9[%dma_wait3A_132, %dma_wait3A_133] : memref<128x128xf32, #tpu.memory_space<vmem>> -> memref<64x128xf32, #tpu.memory_space<vmem>>
    tpu.wait_dma2 semaphore(%arg14 : memref<!tpu.dma_semaphore, #tpu.memory_space<semaphore_mem>>) src(%dma_wait3A_134 : memref<64x128xf32, #tpu.memory_space<vmem>>) dst(%dma_wait3A_131 : memref<64x128xf32, #tpu.memory_space<hbm>>)
    %dma_wait3A_135 = arith.constant 0 : i32
    %dma_wait3A_136 = arith.constant 0 : i32
    %dma_wait3A_137 = tpu.memref_slice %arg10[%dma_wait3A_135, %dma_wait3A_136] : memref<128x128xf32, #tpu.memory_space<vmem>> -> memref<64x128xf32, #tpu.memory_space<vmem>>
    %dma_wait3A_138 = arith.constant 0 : i32
    %dma_wait3A_139 = tpu.memref_slice %arg6[%add3A_30, %dma_wait3A_138] : memref<8192x128xf32, #tpu.memory_space<hbm>> -> memref<64x128xf32, #tpu.memory_space<hbm>>
    %dma_wait3A_140 = arith.constant 0 : i32
    %dma_wait3A_141 = tpu.memref_slice %arg6[%add3A_30, %dma_wait3A_140] : memref<8192x128xf32, #tpu.memory_space<hbm>> -> memref<64x128xf32, #tpu.memory_space<hbm>>
    %dma_wait3A_142 = arith.constant 0 : i32
    %dma_wait3A_143 = arith.constant 0 : i32
    %dma_wait3A_144 = tpu.memref_slice %arg10[%dma_wait3A_142, %dma_wait3A_143] : memref<128x128xf32, #tpu.memory_space<vmem>> -> memref<64x128xf32, #tpu.memory_space<vmem>>
    tpu.wait_dma2 semaphore(%arg14 : memref<!tpu.dma_semaphore, #tpu.memory_space<semaphore_mem>>) src(%dma_wait3A_144 : memref<64x128xf32, #tpu.memory_space<vmem>>) dst(%dma_wait3A_141 : memref<64x128xf32, #tpu.memory_space<hbm>>)
    %dma_wait3A_145 = arith.constant 64 : i32
    %dma_wait3A_146 = arith.constant 0 : i32
    %dma_wait3A_147 = tpu.memref_slice %arg9[%dma_wait3A_145, %dma_wait3A_146] : memref<128x128xf32, #tpu.memory_space<vmem>> -> memref<64x128xf32, #tpu.memory_space<vmem>>
    %dma_wait3A_148 = arith.constant 0 : i32
    %dma_wait3A_149 = tpu.memref_slice %arg6[%add3A_40, %dma_wait3A_148] : memref<8192x128xf32, #tpu.memory_space<hbm>> -> memref<64x128xf32, #tpu.memory_space<hbm>>
    %dma_wait3A_150 = arith.constant 0 : i32
    %dma_wait3A_151 = tpu.memref_slice %arg6[%add3A_40, %dma_wait3A_150] : memref<8192x128xf32, #tpu.memory_space<hbm>> -> memref<64x128xf32, #tpu.memory_space<hbm>>
    %dma_wait3A_152 = arith.constant 64 : i32
    %dma_wait3A_153 = arith.constant 0 : i32
    %dma_wait3A_154 = tpu.memref_slice %arg9[%dma_wait3A_152, %dma_wait3A_153] : memref<128x128xf32, #tpu.memory_space<vmem>> -> memref<64x128xf32, #tpu.memory_space<vmem>>
    tpu.wait_dma2 semaphore(%arg14 : memref<!tpu.dma_semaphore, #tpu.memory_space<semaphore_mem>>) src(%dma_wait3A_154 : memref<64x128xf32, #tpu.memory_space<vmem>>) dst(%dma_wait3A_151 : memref<64x128xf32, #tpu.memory_space<hbm>>)
    %dma_wait3A_155 = arith.constant 64 : i32
    %dma_wait3A_156 = arith.constant 0 : i32
    %dma_wait3A_157 = tpu.memref_slice %arg10[%dma_wait3A_155, %dma_wait3A_156] : memref<128x128xf32, #tpu.memory_space<vmem>> -> memref<64x128xf32, #tpu.memory_space<vmem>>
    %dma_wait3A_158 = arith.constant 0 : i32
    %dma_wait3A_159 = tpu.memref_slice %arg6[%add3A_52, %dma_wait3A_158] : memref<8192x128xf32, #tpu.memory_space<hbm>> -> memref<64x128xf32, #tpu.memory_space<hbm>>
    %dma_wait3A_160 = arith.constant 0 : i32
    %dma_wait3A_161 = tpu.memref_slice %arg6[%add3A_52, %dma_wait3A_160] : memref<8192x128xf32, #tpu.memory_space<hbm>> -> memref<64x128xf32, #tpu.memory_space<hbm>>
    %dma_wait3A_162 = arith.constant 64 : i32
    %dma_wait3A_163 = arith.constant 0 : i32
    %dma_wait3A_164 = tpu.memref_slice %arg10[%dma_wait3A_162, %dma_wait3A_163] : memref<128x128xf32, #tpu.memory_space<vmem>> -> memref<64x128xf32, #tpu.memory_space<vmem>>
    tpu.wait_dma2 semaphore(%arg14 : memref<!tpu.dma_semaphore, #tpu.memory_space<semaphore_mem>>) src(%dma_wait3A_164 : memref<64x128xf32, #tpu.memory_space<vmem>>) dst(%dma_wait3A_161 : memref<64x128xf32, #tpu.memory_space<hbm>>)
    return
  }
}

module attributes {stable_mosaic.version = 14 : i64} {
  func.func @_mlp_body(%arg0: i32, %arg1: memref<2x1x2048x128xf32, #tpu.memory_space<vmem>>, %arg2: memref<256x256xf32, #tpu.memory_space<vmem>>, %arg3: memref<256x1xf32, #tpu.memory_space<vmem>>, %arg4: memref<256x1xf32, #tpu.memory_space<vmem>>, %arg5: memref<1x1xf32, #tpu.memory_space<vmem>>, %arg6: memref<2048xf32, #tpu.memory_space<vmem>>) attributes {dimension_semantics = [#tpu.dimension_semantics<arbitrary>], iteration_bounds = array<i64: 2>, scalar_prefetch = 0 : i64, scratch_operands = 0 : i64, tpu.core_type = #tpu.core_type<tc>, window_params = [{transform_indices = @transform_0, window_bounds = array<i64: 2, 1, 2048, 128>}, {pipeline_mode = #tpu.pipeline_mode<synchronous>, transform_indices = @transform_1, window_bounds = array<i64: 256, 256>}, {pipeline_mode = #tpu.pipeline_mode<synchronous>, transform_indices = @transform_2, window_bounds = array<i64: 256, 1>}, {pipeline_mode = #tpu.pipeline_mode<synchronous>, transform_indices = @transform_3, window_bounds = array<i64: 256, 1>}, {pipeline_mode = #tpu.pipeline_mode<synchronous>, transform_indices = @transform_4, window_bounds = array<i64: 1, 1>}, {transform_indices = @transform_5, window_bounds = array<i64: 2048>}]} {
    %get3A = arith.constant 0 : index
    %get3A_0 = arith.constant 0 : index
    %get3A_1 = vector.load %arg2[%get3A, %get3A_0] : memref<256x256xf32, #tpu.memory_space<vmem>>, vector<256x128xf32>
    %get3A_2 = arith.constant 0 : index
    %get3A_3 = arith.constant 0 : index
    %get3A_4 = arith.constant 0 : index
    %get3A_5 = arith.constant 0 : index
    %get3A_6 = vector.load %arg1[%get3A_2, %get3A_3, %get3A_4, %get3A_5] : memref<2x1x2048x128xf32, #tpu.memory_space<vmem>>, vector<1x1x2048x128xf32>
    %get3A_7 = vector.shape_cast %get3A_6 : vector<1x1x2048x128xf32> to vector<2048x128xf32>
    %dot_general3A = arith.constant dense<0.000000e+00> : vector<256x2048xf32>
    %dot_general3A_8 = tpu.matmul %get3A_1, %get3A_7, %dot_general3A {dimension_numbers = #tpu.dot_dimension_numbers<[1], [1], [0], [0], [0, 0, 1, 0], [], []>, transpose_lhs_hint = false} : vector<256x128xf32>, vector<2048x128xf32>, vector<256x2048xf32> -> vector<256x2048xf32>
    %get3A_9 = arith.constant 0 : index
    %get3A_10 = arith.constant 128 : index
    %get3A_11 = vector.load %arg2[%get3A_9, %get3A_10] : memref<256x256xf32, #tpu.memory_space<vmem>>, vector<256x128xf32>
    %get3A_12 = arith.constant 1 : index
    %get3A_13 = arith.constant 0 : index
    %get3A_14 = arith.constant 0 : index
    %get3A_15 = arith.constant 0 : index
    %get3A_16 = vector.load %arg1[%get3A_12, %get3A_13, %get3A_14, %get3A_15] : memref<2x1x2048x128xf32, #tpu.memory_space<vmem>>, vector<1x1x2048x128xf32>
    %get3A_17 = vector.shape_cast %get3A_16 : vector<1x1x2048x128xf32> to vector<2048x128xf32>
    %dot_general3A_18 = arith.constant dense<0.000000e+00> : vector<256x2048xf32>
    %dot_general3A_19 = tpu.matmul %get3A_11, %get3A_17, %dot_general3A_18 {dimension_numbers = #tpu.dot_dimension_numbers<[1], [1], [0], [0], [0, 0, 1, 0], [], []>, transpose_lhs_hint = false} : vector<256x128xf32>, vector<2048x128xf32>, vector<256x2048xf32> -> vector<256x2048xf32>
    %add3A = arith.addf %dot_general3A_8, %dot_general3A_19 : vector<256x2048xf32>
    %get3A_20 = arith.constant 0 : index
    %get3A_21 = arith.constant 0 : index
    %get3A_22 = vector.load %arg3[%get3A_20, %get3A_21] : memref<256x1xf32, #tpu.memory_space<vmem>>, vector<256x1xf32>
    %add3A_23 = vector.broadcast %get3A_22 : vector<256x1xf32> to vector<256x2048xf32>
    %add3A_24 = arith.addf %add3A, %add3A_23 : vector<256x2048xf32>
    %max3A = arith.constant 0.000000e+00 : f32
    %max3A_25 = vector.broadcast %max3A : f32 to vector<256x2048xf32>
    %max3A_26 = arith.maximumf %add3A_24, %max3A_25 : vector<256x2048xf32>
    %get3A_27 = arith.constant 0 : index
    %get3A_28 = arith.constant 0 : index
    %get3A_29 = vector.load %arg4[%get3A_27, %get3A_28] : memref<256x1xf32, #tpu.memory_space<vmem>>, vector<256x1xf32>
    %mul3A = vector.broadcast %get3A_29 : vector<256x1xf32> to vector<256x2048xf32>
    %mul3A_30 = arith.mulf %max3A_26, %mul3A : vector<256x2048xf32>
    %reduce_sum3A = arith.constant dense<0.000000e+00> : vector<2048xf32>
    %reduce_sum3A_31 = vector.multi_reduction <add>, %mul3A_30, %reduce_sum3A [0] : vector<256x2048xf32> to vector<2048xf32>
    %get3A_32 = arith.constant 0 : index
    %get3A_33 = arith.constant 0 : index
    %get3A_34 = vector.load %arg5[%get3A_32, %get3A_33] : memref<1x1xf32, #tpu.memory_space<vmem>>, vector<1x1xf32>
    %get3A_35 = vector.extract %get3A_34[0, 0] : f32 from vector<1x1xf32>
    %add3A_36 = vector.broadcast %get3A_35 : f32 to vector<2048xf32>
    %add3A_37 = arith.addf %reduce_sum3A_31, %add3A_36 : vector<2048xf32>
    %swap3A = arith.constant 0 : index
    %swap3A_38 = vector.load %arg6[%swap3A] : memref<2048xf32, #tpu.memory_space<vmem>>, vector<2048xf32>
    tpu.vector_store %arg6[%swap3A], %add3A_37 {strides = array<i32>} : memref<2048xf32, #tpu.memory_space<vmem>>, vector<2048xf32>,
    return
  }
  func.func @transform_0(%arg0: i32) -> (i32, i32, i32, i32) {
    %c0_i32 = arith.constant 0 : i32
    %c0_i32_0 = arith.constant 0 : i32
    %c0_i32_1 = arith.constant 0 : i32
    %c0_i32_2 = arith.constant 0 : i32
    return %c0_i32, %arg0, %c0_i32_0, %c0_i32_1 : i32, i32, i32, i32
  }
  func.func @transform_1(%arg0: i32) -> (i32, i32) {
    %c0_i32 = arith.constant 0 : i32
    %c0_i32_0 = arith.constant 0 : i32
    %c0_i32_1 = arith.constant 0 : i32
    return %c0_i32, %c0_i32_0 : i32, i32
  }
  func.func @transform_2(%arg0: i32) -> (i32, i32) {
    %c0_i32 = arith.constant 0 : i32
    %c0_i32_0 = arith.constant 0 : i32
    %c0_i32_1 = arith.constant 0 : i32
    return %c0_i32, %c0_i32_0 : i32, i32
  }
  func.func @transform_3(%arg0: i32) -> (i32, i32) {
    %c0_i32 = arith.constant 0 : i32
    %c0_i32_0 = arith.constant 0 : i32
    %c0_i32_1 = arith.constant 0 : i32
    return %c0_i32, %c0_i32_0 : i32, i32
  }
  func.func @transform_4(%arg0: i32) -> (i32, i32) {
    %c0_i32 = arith.constant 0 : i32
    %c0_i32_0 = arith.constant 0 : i32
    %c0_i32_1 = arith.constant 0 : i32
    return %c0_i32, %c0_i32_0 : i32, i32
  }
  func.func @transform_5(%arg0: i32) -> i32 {
    %c0_i32 = arith.constant 0 : i32
    return %arg0 : i32
  }
}

</mosaic_0001>

<sc_bundles>
// kernel: kernel.4.cloned.1.call-start
scs
__scs_entry_jumppad:
0x0: {  	(pc) =	sbr.rel $0x88, $3  }
0x1: {  	(tag) =	ssettag $0x0;
	lr =	simm.s32 $0x1  }
0x2: {  	[smem:$0x3F99] =	sst lr;
	_ =	strace $0xD0000000  }
0x3: {  	_ = 	snop  }
0x4: {  	_ = 	snop  }
0x5: {  	_ = 	snop  }
0x6: {  	_ = 	snop  }
0x7: {  	_ = 	snop  }
__scs_overlays_trampoline_lowered:
0x8: {  	[smem:$0x3FA8] =	sst s0  }
0x9: {  	[smem:$0x3FA9] =	sst s1  }
0xa: {  	[smem:$0x3FAA] =	sst s2  }
0xb: {  	[smem:$0x3FAB] =	sst s3  }
0xc: {  	[smem:$0x3FAC] =	sst s4  }
0xd: {  	[smem:$0x3FAD] =	sst s5  }
0xe: {  	[smem:$0x3FAE] =	sst s6  }
0xf: {  	[smem:$0x3FAF] =	sst s7  }
0x10: {  	[smem:$0x3FB0] =	sst s8  }
0x11: {  	[smem:$0x3FB1] =	sst s9;
	s0 =	simm.s32 @!p0 $0x0  }
0x12: {  	s1 =	sld [smem:$0x3F97];
	s0 =	simm.s32 @p0 $0x1  }
0x13: {  	[smem:$0x3FB2] =	sst s0;
	s0 =	simm.s32 @!p1 $0x0  }
0x14: {  	s2 =	sld [smem:$0x3F96];
	s0 =	simm.s32 @p1 $0x1  }
0x15: {  	[smem:$0x3FB3] =	sst s0;
	s0 =	simm.s32 @!p2 $0x0  }
0x16: {  	s3 =	sld [smem:$0x3FDB];
	s0 =	simm.s32 @p2 $0x1  }
0x17: {  	s4 =	simm.s32 $0x1BF5;
	[smem:$0x3FB5] =	sst s0  }
0x18: {  	s0 =	sld [smem:$0x3F98];
	_ =	swait.ge [sflag:s4], $0x0  }
0x19: {  	s7 =	sld [smem:$0x3F99]  }
0x1a: {  	s8 =	sadd.s32 $0xFFFFE003, lr  }
0x1b: {  	s9 =	sadd.s32 $0xFFFFFEF7, lr;
	s5 =	simm.s32 $0xFFFFFFFF;
	p2 =	slt.u32 s8, $0xFFFFF086  }
0x1c: {  	p1 =	slt.u32 s9, $0xF7A;
	s5 =	simm.s32 @!p2 $0x0  }
0x1d: {  	s5 =	simm.s32 @p1 $0x1;
	p0 =	seq.s32 s7, s2  }
0x1e: {  	s7 =	smul.u32 @!p0 $0xF7A, s2;
	p2 =	seq.s32 @!p0 s5, $0x0  }
0x1f: {  	s9 =	smul.u32 $0xF7A, s1;
	s8 =	simm.s32 @!p0 $0x1BF5;
	p2 =	por !p2, p0  }
0x20: {  	[sflag:s8] =	ssyncset.s32 @!p0 $0xFFFFF086;
	s6 =	sadd.s32 @!p0 s3, s7;
	s7 =	simm.s32 @!p0 $0x108  }
0x21: {  	s3 =	sadd.s32 s3, s9;
	s6 =	sadd.s32 @!p0 $0x88, s6;
	s7 =	simm.s32 @p2 $0x1082  }
0x22: {  	[simem:s7], [sflag:s8] =	dma.local @!p0 [hbm:s6], $0xF7A  }
0x23: {  	s9 =	sor.u32 $0xD0000000, s2;
	s6 =	simm.s32 $0x108;
	_ =	swait.ge @!p0 [sflag:s8], $0x0  }
0x24: {  	s3 =	sadd.s32 $0x88, s3;
	s6 =	simm.s32 @!p1 $0x1082;
	[sflag:s4] =	ssyncset.s32 $0xFFFFF086  }
0x25: {  	[simem:s6], [sflag:s4] =	dma.local [hbm:s3], $0xF7A  }
0x26: {  	[smem:$0x3F99] =	sst s1;
	(tag) =	ssettag s2;
	_ =	strace s9  }
0x27: {  	s1 =	sld [smem:$0x3FA9]  }
0x28: {  	s2 =	sld [smem:$0x3FAA]  }
0x29: {  	s4 =	sld [smem:$0x3FAC]  }
0x2a: {  	p0 =	seq.s32 s5, $0x0;
	s5 =	sld [smem:$0x3FAD]  }
0x2b: {  	s6 =	sld [smem:$0x3FAE]  }
0x2c: {  	s7 =	sld [smem:$0x3FAF]  }
0x2d: {  	s3 =	simm.s32 $0x108;
	s8 =	sld [smem:$0x3FB0]  }
0x2e: {  	s3 =	simm.s32 @!p0 $0x1082;
	s9 =	sld [smem:$0x3FB1]  }
0x2f: {  	lr =	sadd.s32 s0, s3;
	s0 =	sld [smem:$0x3FA8]  }
0x30: {  	s3 =	sld [smem:$0x3FAB]  }
0x31: {  	[smem:$0x3FB4] =	sst s10  }
0x32: {  	s10 =	sld [smem:$0x3FB2];
	_ =	sdelay $0x3  }
0x33: {  	p0 =	seq.s32 s10, $0x1;
	s10 =	sld [smem:$0x3FB4];
	_ =	sdelay $0x3  }
0x34: {  	[smem:$0x3FB4] =	sst s10  }
0x35: {  	s10 =	sld [smem:$0x3FB3];
	_ =	sdelay $0x3  }
0x36: {  	p1 =	seq.s32 s10, $0x1;
	s10 =	sld [smem:$0x3FB4];
	_ =	sdelay $0x3  }
0x37: {  	[smem:$0x3FB4] =	sst s10  }
0x38: {  	s10 =	sld [smem:$0x3FB5]  }
0x39: {  	_ = 	snop;
	(pc) =	sbr.ind lr, $3  }
0x3a: {  	_ = 	snop  }
0x3b: {  	_ = 	snop  }
0x3c: {  	p2 =	seq.s32 s10, $0x1;
	s10 =	sld [smem:$0x3FB4]  }
0x3d: {  	_ =	shalt  }
0x3e: {  	_ =	shalt  }
0x3f: {  	_ =	shalt  }
0x40: {  	_ =	shalt  }
0x41: {  	_ =	shalt  }
0x42: {  	_ =	shalt  }
0x43: {  	_ =	shalt  }
0x44: {  	_ =	shalt  }
0x45: {  	_ =	shalt  }
0x46: {  	_ =	shalt  }
0x47: {  	_ =	shalt  }
0x48: {  	_ =	shalt  }
0x49: {  	_ =	shalt  }
0x4a: {  	_ =	shalt  }
0x4b: {  	_ =	shalt  }
0x4c: {  	_ =	shalt  }
0x4d: {  	_ =	shalt  }
0x4e: {  	_ =	shalt  }
0x4f: {  	_ =	shalt  }
0x50: {  	_ =	shalt  }
0x51: {  	_ =	shalt  }
0x52: {  	_ =	shalt  }
0x53: {  	_ =	shalt  }
0x54: {  	_ =	shalt  }
0x55: {  	_ =	shalt  }
0x56: {  	_ =	shalt  }
0x57: {  	_ =	shalt  }
0x58: {  	_ =	shalt  }
0x59: {  	_ =	shalt  }
0x5a: {  	_ =	shalt  }
0x5b: {  	_ =	shalt  }
0x5c: {  	_ =	shalt  }
0x5d: {  	_ =	shalt  }
0x5e: {  	_ =	shalt  }
0x5f: {  	_ =	shalt  }
0x60: {  	_ =	shalt  }
0x61: {  	_ =	shalt  }
0x62: {  	_ =	shalt  }
0x63: {  	_ =	shalt  }
0x64: {  	_ =	shalt  }
0x65: {  	_ =	shalt  }
0x66: {  	_ =	shalt  }
0x67: {  	_ =	shalt  }
0x68: {  	_ =	shalt  }
0x69: {  	_ =	shalt  }
0x6a: {  	_ =	shalt  }
0x6b: {  	_ =	shalt  }
0x6c: {  	_ =	shalt  }
0x6d: {  	_ =	shalt  }
0x6e: {  	_ =	shalt  }
0x6f: {  	_ =	shalt  }
0x70: {  	_ =	shalt  }
0x71: {  	_ =	shalt  }
0x72: {  	_ =	shalt  }
0x73: {  	_ =	shalt  }
0x74: {  	_ =	shalt  }
0x75: {  	_ =	shalt  }
0x76: {  	_ =	shalt  }
0x77: {  	_ =	shalt  }
0x78: {  	_ =	shalt  }
0x79: {  	_ =	shalt  }
0x7a: {  	_ =	shalt  }
0x7b: {  	_ =	shalt  }
0x7c: {  	_ =	shalt  }
0x7d: {  	_ =	shalt  }
0x7e: {  	_ =	shalt  }
0x7f: {  	_ =	shalt  }
0x80: {  	_ =	shalt  }
0x81: {  	_ =	shalt  }
0x82: {  	_ =	shalt  }
0x83: {  	_ =	shalt  }
0x84: {  	_ =	shalt  }
0x85: {  	_ =	shalt  }
0x86: {  	_ =	shalt  }
0x87: {  	_ =	shalt  }
.Lfunc_end0:
.L_simem_size_0:
called_computation_lowered:
.L_overlay_start_0:
0x88: {  	s2 =	sld [smem:$0x3FD9]  }
0x89: {  	s3 =	sld [smem:$0x3FFE];
	_ =	sdelay $0x1  }
0x8a: {  	s1 =	srdreg.scid  }
0x8b: {  	s0 =	sand.u32 $0x1, s1  }
0x8c: {  	s17 =	sshll.u32 s0, $0xA;
	s2 =	sadd.s32 s3, s2  }
0x8d: {  	s2 =	sadd.s32 s2, s17  }
0x8e: {  	[smem:$0x3FC0] =	sst s2  }
0x8f: {  	_ = 	snop  }
0x90: {  	s2 =	sld [smem:$0x3FC9]  }
0x91: {  	s18 =	sld [smem:$0x3FC8]  }
0x92: {  	s4 =	sld [smem:$0x3FC7]  }
0x93: {  	s5 =	sld [smem:$0x3FC6];
	(tm) =	ssettm $0x1  }
0x94: {  	s6 =	sld [smem:$0x3FFB];
	_ =	sdelay $0x3  }
0x95: {  	_ =	strace s6  }
0x96: {  	s6 =	sld [smem:$0x3FFC];
	_ =	sdelay $0x3  }
0x97: {  	_ =	strace s6  }
0x98: {  	s6 =	sld [smem:$0x3FFD];
	_ =	sdelay $0x3  }
0x99: {  	_ =	strace s6  }
0x9a: {  	_ =	strace $0x8FFFFFFF  }
0x9b: {  	s19 =	sld [smem:$0x3FDB];
	_ =	sdelay $0x1  }
0x9c: {  	s7 =	simm.s32 $_scs_section_size  }
0x9d: {  	s8 =	simm.s32 $_size__tile_overlayer_lowered;
	s9 =	simm.s32 $_tile_overlayer_lowered  }
0x9e: {  	s22 =	simm.s32 $0x1BFF;
	s21 =	sshll.u32 s9, $0x1;
	s6 =	sadd.s32 s7, s19  }
0x9f: {  	s10 =	simm.s32 $0x0;
	s20 =	sshll.u32 s8, $0x1;
	s8 =	sadd.s32 s21, s6  }
0xa0: {  	[timem:s10], [sflag:s22] =	dma.local [hbm:s8], s20  }
0xa1: {  	_ =	swait.ge [sflag:s22], s20  }
0xa2: {  	s7 =	ssub.s32 $0x0, s20;
	[sflag:s22] =	ssyncset.done $0x0  }
0xa3: {  	[sflag:s22] =	ssyncadd.s32 s7;
	_ =	sdelay $0x1  }
0xa4: {  	s23 =	simm.s32 $0x1B8B  }
0xa5: {  	_ =	swait.ge [sflag:s23], $0x1  }
0xa6: {  	[sflag:s23] =	ssyncset.done $0x0  }
0xa7: {  	s25 =	simm.s32 $0x1B8E;
	s24 =	sld [smem:$0x3FFE];
	[sflag:s23] =	ssyncadd.s32 $0xFFFFFFFF  }
0xa8: {  	s26 =	simm.s32 $execute0_lowered;
	[smem:$0x3FD2] =	sst s25  }
0xa9: {  	s8 =	sshll.u32 s26, $0x1;
	_ =	strace $0x80000046;
	[dreg:$0x1] =	wrdreg $0xFFFFFFFF  }
0xaa: {  	s28 =	simm.s32 $_size_execute0_lowered;
	s6 =	sadd.s32 s6, s8;
	[dreg:$0x0] =	wrdreg $0x0  }
0xab: {  	s8 =	sshll.u32 s28, $0x1;
	[dreg:$0x2] =	wrdreg s6  }
0xac: {  	[dreg:$0x3] =	wrdreg s8  }
0xad: {  	[dreg:$0x4] =	wrdreg $0xC0  }
0xae: {  	_ =	task [dreg:s10], $0x5FFFF  }
0xaf: {  	[dreg:$0x1] =	wrdreg $0xFFFFFFFF  }
0xb0: {  	[dreg:$0x0] =	wrdreg $0x60  }
0xb1: {  	[dreg:$0x2] =	wrdreg s4  }
0xb2: {  	[dreg:$0x3] =	wrdreg s5  }
0xb3: {  	[dreg:$0x4] =	wrdreg s2  }
0xb4: {  	[dreg:$0x5] =	wrdreg s18  }
0xb5: {  	[dreg:$0x6] =	wrdreg s24  }
0xb6: {  	[dreg:$0x7] =	wrdreg $0x9  }
0xb7: {  	_ =	task.clear_ibuf [dreg:s10], $0x8FFFF;
	_ =	strace $0x90000046  }
0xb8: {  	s29 =	simm.s32 $0x9;
	_ =	strace $0x80000048  }
0xb9: {  	_ =	swait.ge [sflag:s29], $0x1  }
0xba: {  	[sflag:s29] =	ssyncadd.s32 $0xFFFFFFFF  }
0xbb: {  	_ =	strace $0x90000048  }
0xbc: {  	_ =	sfence  }
0xbd: {  	s30 =	sld [smem:$0x0];
	_ =	sdelay $0x2  }
0xbe: {  	s31 =	sshll.u32 s1, $0xD;
	s1 =	sshrl.u32 s1, $0x2  }
0xbf: {  	s3 =	sand.u32 $0x4000, s31;
	s1 =	sadd.s32 s1, s30  }
0xc0: {  	s0 =	sor.u32 s3, s0;
	s1 =	sshll.u32 s1, $0x11  }
0xc1: {  	s0 =	sor.u32 s1, s0  }
0xc2: {  	s0 =	sadd.s32 $0x8F2B, s0  }
0xc3: {  	[sflag:s0] =	ssyncadd.remote.s32 $0x1  }
0xc4: {  	_ =	sfence.sel $0xFFFF  }
0xc5: {  	[dreg:$0x0] =	wrdreg $0xFFFFFFFF;
	(pc) =	sbr.abs _section_cstart, $3  }
0xc6: {  	[dreg:$0x1] =	wrdreg $0xFFFFFFFF  }
0xc7: {  	_ =	task.clear_ibuf [dreg:s10], $0x2FFFF;
	_ =	strace $0x9FFFFFFF  }
0xc8: {  	(tm) =	ssettm $0x7FFFFFFF  }
0xc9: {  	_ =	shalt  }
tec
execute0_lowered:
.L_overlay_start_1:
0x0: {  	(tag) =	ssettag $0x1  }
0x1: {  	s1 =	rddreg [dreg:$0x0]  }
0x2: {  	s2 =	rddreg [dreg:$0x1];
	s3 =	srdreg.scid  }
0x3: {  	s5 =	rddreg [dreg:$0x2];
	s0 =	stileid.u32;
	s22 =	sand.u32 $0x1, s3  }
0x4: {  	s6 =	rddreg [dreg:$0x3];
	s7 =	sshll.u32 s0, $0x8;
	s8 =	sshll.u32 s22, $0x7  }
0x5: {  	s16 =	rddreg [dreg:$0x4];
	s4 =	simm.s32 $0x0;
	s17 =	sor.u32 s8, s7  }
0x6: {  	[smem:$0x7FF] =	sst s4;
	s7 =	sshrl.u32 s17, $0x3  }
0x7: {  	s3 =	rddreg [dreg:$0x5];
	_ =	strace $0x80000047;
	s5 =	sadd.s32 s5, s7  }
0x8: {  	[tilespmem:s4], [sflag:$0x1] =	stream.linear.gather [hbm4b:s5+s4], $0x80, $0x38;
	[tilespmem:$0x8100] =	vst v63  }
0x9: {  	s8 =	simm.s32 $0x1;
	s6 =	sadd.s32 s6, s7;
	s7 =	simm.s32 $0x80  }
0xa: {  	[tilespmem:s7], [sflag:$0x1] =	stream.linear.gather [hbm4b:s6+s4], $0x80, $0x38;
	[tilespmem:$0x8100] =	vst v63  }
0xb: {  	_ =	swait.ge [sflag:s8], $0x80  }
0xc: {  	[sflag:s8] =	ssyncset.done $0x0  }
0xd: {  	[sflag:s8] =	ssyncadd.s32 $0xFFFFFF80  }
0xe: {  	_ =	swait.ge [sflag:s8], $0x80  }
0xf: {  	[sflag:s8] =	ssyncset.done $0x0  }
0x10: {  	s9 =	simm.s32 $0x40;
	s10 =	simm.s32 $0x100;
	[sflag:s8] =	ssyncadd.s32 $0xFFFFFF80  }
0x11: {  	[tilespmem:s10], [sflag:$0x2] =	stream.indirect.gather [hbm4b:s1+s9], $0x80, s4, s9, $0xb8;
	[tilespmem:$0x8100] =	vst v63  }
0x12: {  	s11 =	simm.s32 $0x4100  }
0x13: {  	[tilespmem:s11], [sflag:$0x3] =	stream.indirect.gather [hbm4b:s2+s9], $0x80, s7, s9, $0xb8;
	[tilespmem:$0x8100] =	vst v63  }
0x14: {  	s12 =	simm.s32 $0x2100  }
0x15: {  	[tilespmem:s12], [sflag:$0x2] =	stream.indirect.gather [hbm4b:s1+s9], $0x80, s9, s9, $0xb8;
	[tilespmem:$0x8100] =	vst v63  }
0x16: {  	s13 =	simm.s32 $0xC0;
	s14 =	simm.s32 $0x6100;
	s15 =	simm.s32 $0x2  }
0x17: {  	[tilespmem:s14], [sflag:$0x3] =	stream.indirect.gather [hbm4b:s2+s9], $0x80, s13, s9, $0xb8;
	[tilespmem:$0x8100] =	vst v63  }
0x18: {  	s17 =	sshll.u32 s17, $0x4;
	_ =	swait.ge [sflag:s15], $0x2000  }
0x19: {  	s20 =	sadd.s32 s17, s16;
	[sflag:s15] =	ssyncset.done $0x0  }
0x1a: {  	s17 =	simm.s32 $0x3;
	s16 =	sadd.s32 $0xC00, s20;
	[sflag:s15] =	ssyncadd.s32 $0xFFFFE000  }
0x1b: {  	[hbm4b:s16+s4] =	stream.linear.scatter [tilespmem:s10], [sflag:$0x4], $0x2000, $0x38;
	[tilespmem:$0x8100] =	vst v63  }
0x1c: {  	_ =	swait.ge [sflag:s17], $0x2000  }
0x1d: {  	[sflag:s17] =	ssyncset.done $0x0  }
0x1e: {  	s18 =	sadd.s32 $0x10C00, s20;
	[sflag:s17] =	ssyncadd.s32 $0xFFFFE000  }
0x1f: {  	[hbm4b:s18+s4] =	stream.linear.scatter [tilespmem:s11], [sflag:$0x4], $0x2000, $0x38;
	[tilespmem:$0x8100] =	vst v63  }
0x20: {  	_ =	swait.ge [sflag:s15], $0x2000  }
0x21: {  	[sflag:s15] =	ssyncset.done $0x0  }
0x22: {  	s19 =	sadd.s32 $0x1000, s20;
	[sflag:s15] =	ssyncadd.s32 $0xFFFFE000  }
0x23: {  	[hbm4b:s19+s4] =	stream.linear.scatter [tilespmem:s12], [sflag:$0x4], $0x2000, $0x38;
	[tilespmem:$0x8100] =	vst v63  }
0x24: {  	_ =	swait.ge [sflag:s17], $0x2000  }
0x25: {  	[sflag:s17] =	ssyncset.done $0x0  }
0x26: {  	s21 =	sadd.s32 $0x11000, s20;
	s20 =	simm.s32 $0x4;
	[sflag:s17] =	ssyncadd.s32 $0xFFFFE000  }
0x27: {  	[hbm4b:s21+s4] =	stream.linear.scatter [tilespmem:s14], [sflag:$0x4], $0x2000, $0x38;
	[tilespmem:$0x8100] =	vst v63  }
0x28: {  	_ =	swait.ge [sflag:s20], $0x2000  }
0x29: {  	s22 =	ssub.s32 $0x2, s22;
	[sflag:s20] =	ssyncset.done $0x0  }
0x2a: {  	s23 =	sshrl.u32 s22, $0x1;
	[sflag:s20] =	ssyncadd.s32 $0xFFFFE000  }
0x2b: {  	s22 =	ssub.s32 s22, s23;
	_ =	swait.ge [sflag:s20], $0x2000  }
0x2c: {  	s22 =	smax.u32 s22, $0x1;
	[sflag:s20] =	ssyncset.done $0x0  }
0x2d: {  	p0 =	sne.s32 s22, $0x1;
	[sflag:s20] =	ssyncadd.s32 $0xFFFFE000  }
.Ltmp0:
0x2e: {  	_ =	swait.ge [sflag:s20], $0x2000;
	(pc) =	sbr.rel @!p0 .LBB2_2-.Ltmp0, $4  }
0x2f: {  	[sflag:s20] =	ssyncset.done $0x0  }
0x30: {  	[sflag:s20] =	ssyncadd.s32 $0xFFFFE000  }
0x31: {  	_ =	swait.ge [sflag:s20], $0x2000  }
0x32: {  	s22 =	sadd.s32 $0xFFFFFFFF, s22;
	[sflag:s20] =	ssyncset.done $0x0  }
.LBB2_1:
0x33: {  	p0 =	sne.s32 s22, $0x1;
	s22 =	sadd.s32 $0xFFFFFFFF, s22;
	[sflag:s20] =	ssyncadd.s32 $0xFFFFE000  }
0x34: {  	[tilespmem:s4], [sflag:$0x1] =	stream.linear.gather [hbm4b:s5+s4], $0x80, $0x38;
	[tilespmem:$0x8100] =	vst v63  }
0x35: {  	_ = 	snop  }
0x36: {  	[tilespmem:s7], [sflag:$0x1] =	stream.linear.gather [hbm4b:s6+s4], $0x80, $0x38;
	[tilespmem:$0x8100] =	vst v63  }
0x37: {  	_ =	swait.ge [sflag:s8], $0x80  }
0x38: {  	[sflag:s8] =	ssyncset.done $0x0  }
0x39: {  	[sflag:s8] =	ssyncadd.s32 $0xFFFFFF80  }
0x3a: {  	_ =	swait.ge [sflag:s8], $0x80  }
0x3b: {  	[sflag:s8] =	ssyncset.done $0x0  }
0x3c: {  	[sflag:s8] =	ssyncadd.s32 $0xFFFFFF80  }
0x3d: {  	[tilespmem:s10], [sflag:$0x2] =	stream.indirect.gather [hbm4b:s1+s9], $0x80, s4, s9, $0xb8;
	[tilespmem:$0x8100] =	vst v63  }
0x3e: {  	_ = 	snop  }
0x3f: {  	[tilespmem:s11], [sflag:$0x3] =	stream.indirect.gather [hbm4b:s2+s9], $0x80, s7, s9, $0xb8;
	[tilespmem:$0x8100] =	vst v63  }
0x40: {  	_ = 	snop  }
0x41: {  	[tilespmem:s12], [sflag:$0x2] =	stream.indirect.gather [hbm4b:s1+s9], $0x80, s9, s9, $0xb8;
	[tilespmem:$0x8100] =	vst v63  }
0x42: {  	_ = 	snop  }
0x43: {  	[tilespmem:s14], [sflag:$0x3] =	stream.indirect.gather [hbm4b:s2+s9], $0x80, s13, s9, $0xb8;
	[tilespmem:$0x8100] =	vst v63  }
0x44: {  	_ =	swait.ge [sflag:s15], $0x2000  }
0x45: {  	[sflag:s15] =	ssyncset.done $0x0  }
0x46: {  	[sflag:s15] =	ssyncadd.s32 $0xFFFFE000  }
0x47: {  	[hbm4b:s16+s4] =	stream.linear.scatter [tilespmem:s10], [sflag:$0x4], $0x2000, $0x38;
	[tilespmem:$0x8100] =	vst v63  }
0x48: {  	_ =	swait.ge [sflag:s17], $0x2000  }
0x49: {  	[sflag:s17] =	ssyncset.done $0x0  }
0x4a: {  	[sflag:s17] =	ssyncadd.s32 $0xFFFFE000  }
0x4b: {  	[hbm4b:s18+s4] =	stream.linear.scatter [tilespmem:s11], [sflag:$0x4], $0x2000, $0x38;
	[tilespmem:$0x8100] =	vst v63  }
0x4c: {  	_ =	swait.ge [sflag:s15], $0x2000  }
0x4d: {  	[sflag:s15] =	ssyncset.done $0x0  }
0x4e: {  	[sflag:s15] =	ssyncadd.s32 $0xFFFFE000  }
0x4f: {  	[hbm4b:s19+s4] =	stream.linear.scatter [tilespmem:s12], [sflag:$0x4], $0x2000, $0x38;
	[tilespmem:$0x8100] =	vst v63  }
0x50: {  	_ =	swait.ge [sflag:s17], $0x2000  }
0x51: {  	[sflag:s17] =	ssyncset.done $0x0  }
0x52: {  	[sflag:s17] =	ssyncadd.s32 $0xFFFFE000  }
0x53: {  	[hbm4b:s21+s4] =	stream.linear.scatter [tilespmem:s14], [sflag:$0x4], $0x2000, $0x38;
	[tilespmem:$0x8100] =	vst v63  }
0x54: {  	_ =	swait.ge [sflag:s20], $0x2000  }
0x55: {  	[sflag:s20] =	ssyncset.done $0x0  }
0x56: {  	[sflag:s20] =	ssyncadd.s32 $0xFFFFE000  }
0x57: {  	_ =	swait.ge [sflag:s20], $0x2000  }
0x58: {  	[sflag:s20] =	ssyncset.done $0x0  }
0x59: {  	[sflag:s20] =	ssyncadd.s32 $0xFFFFE000  }
.Ltmp1:
0x5a: {  	_ =	swait.ge [sflag:s20], $0x2000;
	(pc) =	sbr.rel @p0 .LBB2_1-.Ltmp1, $4  }
0x5b: {  	[sflag:s20] =	ssyncset.done $0x0  }
0x5c: {  	[sflag:s20] =	ssyncadd.s32 $0xFFFFE000  }
0x5d: {  	_ =	swait.ge [sflag:s20], $0x2000  }
0x5e: {  	[sflag:s20] =	ssyncset.done $0x0  }
.LBB2_2:
0x5f: {  	[sflag:s20] =	ssyncadd.s32 $0xFFFFE000  }
0x60: {  	_ =	sfence.sel $0x180000  }
0x61: {  	[bflag:$0x0] =	sbarrier.arrive $0xFFFF  }
0x62: {  	p0 =	sne.s32 s0, $0x0;
	_ =	strace $0x90000047  }
0x63: {  	s0 =	sadd.s32 @!p0 $0x100000, s3;
	[bflag:$0x2] =	sbarrier.arrive $0xFFFF  }
0x64: {  	[sflag:s0] =	ssyncadd.tile.s32 @!p0 $0x1;
	_ =	shalt  }
.Lfunc_end2:
_tile_overlayer_lowered:
.L_overlay_start_2:
0x65: {  	(tag) =	ssettag $0x2  }
0x66: {  	s0 =	rddreg [dreg:$0x0];
	s2 =	stileid.u32  }
0x67: {  	s1 =	rddreg [dreg:$0x1];
	p0 =	sne.s32 s2, $0x0  }
0x68: {  	s3 =	rddreg [dreg:$0x2];
	[bflag:$0x3] =	sbarrier.arrive $0xFFFF;
	s2 =	simm.s32 @!p0 $0x1C05  }
0x69: {  	[timem:s3], [sflag:s2] =	dma.local @!p0 [hbm:s0], s1  }
0x6a: {  	s0 =	simm.s32 @!p0 $0x5  }
0x6b: {  	_ =	swait.ge @!p0 [sflag:s0], s1  }
0x6c: {  	s1 =	ssub.s32 @!p0 $0x0, s1;
	[sflag:s0] =	ssyncset.done @!p0 $0x0  }
0x6d: {  	[sflag:s0] =	ssyncadd.s32 @!p0 s1  }
0x6e: {  	[bflag:$0x3] =	sbarrier.arrive $0xFFFF  }
0x6f: {  	_ =	shalt  }

</sc_bundles>
